<compile_context>
chip_gen: v7x
topology: tpu7x:2x2x1
jax: 0.10.2.dev20260603
libtpu: 0.0.44.dev20260713+nightly
codegen_flags: <defaults>
</compile_context>

<pallas_src>
import jax
import jax.numpy as jnp
from jax.experimental import pallas as pl


def _copy_kernel(zc_ref, zl_ref, zc_out_ref, zl_out_ref):
    zc_out_ref[...] = zc_ref[...] * 0.5
    zl_out_ref[...] = zl_ref[...] * 0.5


@jax.jit
def kernel(z_cam, z_lidar, W1, b1, W2, b2):
    B, C, H, W = z_cam.shape
    HW = H * W
    R, L = 648, 12800
    zc = z_cam.reshape(B, R, L)
    zl = z_lidar.reshape(B, R, L)
    RB = 24
    grid = (B, R // RB)
    spec = pl.BlockSpec((1, RB, L), lambda b, r: (b, r, 0))
    out_shapes = (
        jax.ShapeDtypeStruct((B, R, L), jnp.float32),
        jax.ShapeDtypeStruct((B, R, L), jnp.float32),
    )
    zhat_c, zhat_l = pl.pallas_call(
        _copy_kernel,
        grid=grid,
        in_specs=[spec, spec],
        out_specs=(spec, spec),
        out_shape=out_shapes,
    )(zc, zl)
    zhat_cam = zhat_c.reshape(B, C, H, W)
    zhat_lidar = zhat_l.reshape(B, C, H, W)
    probs = jnp.zeros((B, HW, 3), jnp.float32)
    return (zhat_cam, zhat_lidar,
            jnp.zeros((B, 1, H, W), jnp.float32), probs, probs,
            jnp.zeros((B, 1), jnp.float32))

# --- scband reference (transcript-rebuilt; emitter-appended) ---
"""Pipeline reference for scband-sparse-mo-espatial-gate-17695265259599 (READ-ONLY COPY).

The authoritative reference and input builder live on the scoring server;
editing this copy changes nothing except your own understanding.
"""

import jax, jax.numpy as jnp
import numpy as np


def setup_inputs(seed: int = 0) -> dict:
    key = jax.random.key(seed)
    ks = jax.random.split(key, 6)
    B, C, H, W = 4, 256, 180, 180
    hidden = 512
    E = 3
    z_cam = jax.random.normal(ks[0], (B, C, H, W), dtype=jnp.float32)
    z_lidar = jax.random.normal(ks[1], (B, C, H, W), dtype=jnp.float32)
    W1 = jax.random.normal(ks[2], (2 * C, hidden), dtype=jnp.float32) * 0.02
    b1 = jnp.zeros((hidden,), dtype=jnp.float32)
    W2 = jax.random.normal(ks[3], (hidden, E), dtype=jnp.float32) * 0.02
    b2 = jnp.zeros((E,), dtype=jnp.float32)
    return {"z_cam": z_cam, "z_lidar": z_lidar, "W1": W1, "b1": b1, "W2": W2, "b2": b2}


def reference(z_cam, z_lidar, W1, b1, W2, b2):
    topk = 1
    bsz, C, h, w = z_cam.shape
    x_cam = jnp.transpose(z_cam, (0, 2, 3, 1)).reshape(bsz, h * w, C)
    x_lidar = jnp.transpose(z_lidar, (0, 2, 3, 1)).reshape(bsz, h * w, C)
    token_feat = jnp.concatenate([x_cam, x_lidar], axis=-1)
    hdn = jax.nn.silu(token_feat @ W1 + b1)
    logits = hdn @ W2 + b2
    probs = jax.nn.softmax(logits, axis=-1)
    E = probs.shape[-1]
    k = max(1, min(topk, E))
    _, topk_idx = jax.lax.top_k(probs, k)
    hard_mask = jnp.sum(jax.nn.one_hot(topk_idx, E, dtype=probs.dtype), axis=-2)
    gate = probs * hard_mask  # STE trick detach(x)+(x-detach(x)) is mathematically x; grads flow through sparse_probs
    gate_cam = gate[..., 0:1]
    gate_lidar = gate[..., 1:2]
    keep_mask = ((gate_cam + gate_lidar) > 0).astype(z_cam.dtype)
    xhat_cam = x_cam * gate_cam
    xhat_lidar = x_lidar * gate_lidar
    zhat_cam = jnp.transpose(xhat_cam.reshape(bsz, h, w, C), (0, 3, 1, 2))
    zhat_lidar = jnp.transpose(xhat_lidar.reshape(bsz, h, w, C), (0, 3, 1, 2))
    keep_mask_2d = jnp.transpose(keep_mask.reshape(bsz, h, w, 1), (0, 3, 1, 2))
    keep_ratio = jnp.mean(keep_mask.astype(jnp.float32), axis=1)
    return (zhat_cam, zhat_lidar, keep_mask_2d, probs, gate, keep_ratio)

if __name__ == "__main__":
    import jax
    _d = setup_inputs()
    print(jax.jit(kernel)(*tuple(_d.values())))

</pallas_src>

<mosaic_0001>
module attributes {stable_mosaic.version = 14 : i64} {
  func.func @_copy_kernel(%arg0: i32, %arg1: i32, %arg2: memref<1x24x12800xf32, #tpu.memory_space<vmem>>, %arg3: memref<1x24x12800xf32, #tpu.memory_space<vmem>>, %arg4: memref<1x24x12800xf32, #tpu.memory_space<vmem>>, %arg5: memref<1x24x12800xf32, #tpu.memory_space<vmem>>) attributes {dimension_semantics = [#tpu.dimension_semantics<arbitrary>, #tpu.dimension_semantics<arbitrary>], iteration_bounds = array<i64: 4, 27>, scalar_prefetch = 0 : i64, scratch_operands = 0 : i64, tpu.core_type = #tpu.core_type<tc>, window_params = [{transform_indices = @transform_0, window_bounds = array<i64: 1, 24, 12800>}, {transform_indices = @transform_1, window_bounds = array<i64: 1, 24, 12800>}, {transform_indices = @transform_2, window_bounds = array<i64: 1, 24, 12800>}, {transform_indices = @transform_3, window_bounds = array<i64: 1, 24, 12800>}]} {
    %get3A = arith.constant 0 : index
    %get3A_0 = arith.constant 0 : index
    %get3A_1 = arith.constant 0 : index
    %get3A_2 = vector.load %arg2[%get3A, %get3A_0, %get3A_1] : memref<1x24x12800xf32, #tpu.memory_space<vmem>>, vector<1x24x12800xf32>
    %mul3A = arith.constant 5.000000e-01 : f32
    %mul3A_3 = vector.broadcast %mul3A : f32 to vector<1x24x12800xf32>
    %mul3A_4 = arith.mulf %get3A_2, %mul3A_3 : vector<1x24x12800xf32>
    %swap3A = arith.constant 0 : index
    %swap3A_5 = arith.constant 0 : index
    %swap3A_6 = arith.constant 0 : index
    %swap3A_7 = vector.load %arg4[%swap3A, %swap3A_5, %swap3A_6] : memref<1x24x12800xf32, #tpu.memory_space<vmem>>, vector<1x24x12800xf32>
    tpu.vector_store %arg4[%swap3A, %swap3A_5, %swap3A_6], %mul3A_4 {strides = array<i32>} : memref<1x24x12800xf32, #tpu.memory_space<vmem>>, vector<1x24x12800xf32>,
    %get3A_8 = arith.constant 0 : index
    %get3A_9 = arith.constant 0 : index
    %get3A_10 = arith.constant 0 : index
    %get3A_11 = vector.load %arg3[%get3A_8, %get3A_9, %get3A_10] : memref<1x24x12800xf32, #tpu.memory_space<vmem>>, vector<1x24x12800xf32>
    %mul3A_12 = arith.constant 5.000000e-01 : f32
    %mul3A_13 = vector.broadcast %mul3A_12 : f32 to vector<1x24x12800xf32>
    %mul3A_14 = arith.mulf %get3A_11, %mul3A_13 : vector<1x24x12800xf32>
    %swap3A_15 = arith.constant 0 : index
    %swap3A_16 = arith.constant 0 : index
    %swap3A_17 = arith.constant 0 : index
    %swap3A_18 = vector.load %arg5[%swap3A_15, %swap3A_16, %swap3A_17] : memref<1x24x12800xf32, #tpu.memory_space<vmem>>, vector<1x24x12800xf32>
    tpu.vector_store %arg5[%swap3A_15, %swap3A_16, %swap3A_17], %mul3A_14 {strides = array<i32>} : memref<1x24x12800xf32, #tpu.memory_space<vmem>>, vector<1x24x12800xf32>,
    return
  }
  func.func @transform_0(%arg0: i32, %arg1: i32) -> (i32, i32, i32) {
    %c0_i32 = arith.constant 0 : i32
    %c0_i32_0 = arith.constant 0 : i32
    return %arg0, %arg1, %c0_i32 : i32, i32, i32
  }
  func.func @transform_1(%arg0: i32, %arg1: i32) -> (i32, i32, i32) {
    %c0_i32 = arith.constant 0 : i32
    %c0_i32_0 = arith.constant 0 : i32
    return %arg0, %arg1, %c0_i32 : i32, i32, i32
  }
  func.func @transform_2(%arg0: i32, %arg1: i32) -> (i32, i32, i32) {
    %c0_i32 = arith.constant 0 : i32
    %c0_i32_0 = arith.constant 0 : i32
    return %arg0, %arg1, %c0_i32 : i32, i32, i32
  }
  func.func @transform_3(%arg0: i32, %arg1: i32) -> (i32, i32, i32) {
    %c0_i32 = arith.constant 0 : i32
    %c0_i32_0 = arith.constant 0 : i32
    return %arg0, %arg1, %c0_i32 : i32, i32, i32
  }
}

</mosaic_0001>

<sc_bundles>
// kernel: sparse-core-data-format-call.1.cloned.1.call-start
scs
called_computation.1_lowered:
.L_overlay_start_0:
0x0: {  	s2 =	sld [smem:$0x3FD9]  }
0x1: {  	s3 =	sld [smem:$0x3FFE];
	_ =	sdelay $0x1  }
0x2: {  	s1 =	srdreg.scid  }
0x3: {  	s0 =	sand.u32 $0x1, s1  }
0x4: {  	s15 =	sshll.u32 s0, $0xA;
	s2 =	sadd.s32 s3, s2  }
0x5: {  	s2 =	sadd.s32 s2, s15  }
0x6: {  	[smem:$0x3FC6] =	sst s2  }
0x7: {  	_ = 	snop  }
0x8: {  	s2 =	sld [smem:$0x3FD0];
	_ =	sdelay $0x2  }
0x9: {  	s16 =	simm.s32 $0xB;
	s4 =	simm.s32 $0x10  }
0xa: {  	[smem:s4], [sflag:s16] =	dma.local [hbm:s2], $0x1  }
0xb: {  	_ =	swait.eq [sflag:s16], $0x1  }
0xc: {  	[sflag:s16] =	ssyncset.done $0x0  }
0xd: {  	[sflag:s16] =	ssyncadd.s32 $0xFFFFFFFF  }
0xe: {  	s17 =	sld [smem:$0x10];
	(tm) =	ssettm $0x1  }
0xf: {  	s18 =	sld [smem:$0x3FFB];
	_ =	sdelay $0x3  }
0x10: {  	_ =	strace s18  }
0x11: {  	s3 =	sld [smem:$0x3FFC];
	_ =	sdelay $0x3  }
0x12: {  	_ =	strace s3  }
0x13: {  	s3 =	sld [smem:$0x3FFD];
	_ =	sdelay $0x3  }
0x14: {  	_ =	strace s3  }
0x15: {  	_ =	strace $0x8FFFFFFF  }
0x16: {  	s19 =	sld [smem:$0x3FDB];
	_ =	sdelay $0x1  }
0x17: {  	s20 =	simm.s32 $_scs_section_size  }
0x18: {  	s5 =	simm.s32 $_size__tile_overlayer_lowered;
	s6 =	simm.s32 $_tile_overlayer_lowered  }
0x19: {  	s23 =	simm.s32 $0x1BFF;
	s22 =	sshll.u32 s6, $0x1;
	s3 =	sadd.s32 s20, s19  }
0x1a: {  	s7 =	simm.s32 $0x0;
	s21 =	sshll.u32 s5, $0x1;
	s5 =	sadd.s32 s22, s3  }
0x1b: {  	[timem:s7], [sflag:s23] =	dma.local [hbm:s5], s21  }
0x1c: {  	_ =	swait.ge [sflag:s23], s21  }
0x1d: {  	s4 =	ssub.s32 $0x0, s21;
	[sflag:s23] =	ssyncset.done $0x0  }
0x1e: {  	[sflag:s23] =	ssyncadd.s32 s4;
	_ =	sdelay $0x1  }
0x1f: {  	s24 =	simm.s32 $0x1B8B  }
0x20: {  	_ =	swait.ge [sflag:s24], $0x1  }
0x21: {  	[sflag:s24] =	ssyncset.done $0x0  }
0x22: {  	s26 =	simm.s32 $0x1B8E;
	s25 =	sld [smem:$0x3FFE];
	[sflag:s24] =	ssyncadd.s32 $0xFFFFFFFF  }
0x23: {  	s27 =	simm.s32 $execute0_lowered;
	[smem:$0x3FD2] =	sst s26  }
0x24: {  	s5 =	sshll.u32 s27, $0x1;
	_ =	strace $0x80000046;
	[dreg:$0x1] =	wrdreg $0xFFFFFFFF  }
0x25: {  	s28 =	simm.s32 $_size_execute0_lowered;
	s3 =	sadd.s32 s3, s5;
	[dreg:$0x0] =	wrdreg $0x0  }
0x26: {  	s5 =	sshll.u32 s28, $0x1;
	[dreg:$0x2] =	wrdreg s3  }
0x27: {  	[dreg:$0x3] =	wrdreg s5  }
0x28: {  	[dreg:$0x4] =	wrdreg $0xC0  }
0x29: {  	_ =	task [dreg:s7], $0x5FFFF  }
0x2a: {  	[dreg:$0x1] =	wrdreg $0xFFFFFFFF  }
0x2b: {  	[dreg:$0x0] =	wrdreg $0x60  }
0x2c: {  	[dreg:$0x2] =	wrdreg s25  }
0x2d: {  	[dreg:$0x3] =	wrdreg s17  }
0x2e: {  	[dreg:$0x4] =	wrdreg $0xA  }
0x2f: {  	_ =	task.clear_ibuf [dreg:s7], $0x5FFFF;
	_ =	strace $0x90000046  }
0x30: {  	s29 =	simm.s32 $0xA;
	_ =	strace $0x80000048  }
0x31: {  	_ =	swait.ge [sflag:s29], $0x1  }
0x32: {  	[sflag:s29] =	ssyncadd.s32 $0xFFFFFFFF  }
0x33: {  	_ =	strace $0x90000048  }
0x34: {  	_ =	sfence  }
0x35: {  	s30 =	sld [smem:$0x0];
	_ =	sdelay $0x2  }
0x36: {  	s31 =	sshll.u32 s1, $0xD;
	s1 =	sshrl.u32 s1, $0x2  }
0x37: {  	s3 =	sand.u32 $0x4000, s31;
	s1 =	sadd.s32 s1, s30  }
0x38: {  	s0 =	sor.u32 s3, s0;
	s1 =	sshll.u32 s1, $0x11  }
0x39: {  	s0 =	sor.u32 s1, s0  }
0x3a: {  	s0 =	sadd.s32 $0x8F2B, s0  }
0x3b: {  	[sflag:s0] =	ssyncadd.remote.s32 $0x1  }
0x3c: {  	_ =	sfence.sel $0xFFFF  }
0x3d: {  	[dreg:$0x0] =	wrdreg $0xFFFFFFFF;
	(pc) =	sbr.abs _section_cstart, $3  }
0x3e: {  	[dreg:$0x1] =	wrdreg $0xFFFFFFFF  }
0x3f: {  	_ =	task.clear_ibuf [dreg:s7], $0x2FFFF;
	_ =	strace $0x9FFFFFFF  }
0x40: {  	(tm) =	ssettm $0x7FFFFFFF  }
0x41: {  	_ =	shalt  }
tec
execute0_lowered:
.L_overlay_start_1:
0x0: {  	(tag) =	ssettag $0x1  }
0x1: {  	s3 =	rddreg [dreg:$0x0];
	s0 =	stileid.u32;
	_ =	strace $0x80000047  }
0x2: {  	s5 =	srdreg.scid;
	s31 =	simm.s32 $0x2;
	s21 =	simm.s32 $0x0  }
0x3: {  	p0 =	por $0x0, $0x0;
	s12 =	simm.s32 $0x400;
	s24 =	simm.s32 $0x0  }
0x4: {  	s22 =	simm.s32 $0x0;
	s23 =	simm.s32 $0x0;
	s13 =	simm.s32 $0x0  }
0x5: {  	s14 =	simm.s32 $0x0;
	s15 =	simm.s32 $0x0;
	s20 =	simm.s32 $0x0  }
0x6: {  	s4 =	sshll.u32 s0, $0x5;
	s3 =	sadd.s32 $0x7E9A00, s3;
	s6 =	sshll.u32 s5, $0x7  }
0x7: {  	s5 =	sshrl.u32 s0, $0x3;
	s4 =	sand.u32 $0x80, s4;
	s6 =	sand.u32 $0x80, s6  }
0x8: {  	s9 =	ssub.s32 $0xB4, s5;
	s17 =	smov.u32 s5;
	s7 =	ssub.s32 $0x100, s4  }
0x9: {  	s11 =	sshrl.u32 s9, $0x1;
	s8 =	sshrl.u32 s7, $0x8;
	s7 =	sshrl.u32 s7, $0x7  }
.Ltmp0:
0xa: {  	s9 =	sand.u32 $0x1, s9;
	s10 =	sand.u32 $0x1, s7;
	(pc) =	sbr.rel .LBB1_1-.Ltmp0, $4  }
0xb: {  	s9 =	sadd.s32 s9, s11;
	s7 =	simm.s32 $0x1;
	s8 =	sadd.s32 s8, s10  }
0xc: {  	s18 =	smov.u32 s4;
	[sflag:s7] =	ssyncpa.u1 $0x0;
	s8 =	smul.u32 s9, s8  }
0xd: {  	s10 =	sshll.u32 s6, $0x3;
	s9 =	sand.u32 $0x3, s0;
	[sflag:s31] =	ssyncpa.u1 $0x0  }
0xe: {  	s0 =	simm.s32 $0x0;
	s19 =	smov.u32 s9;
	s11 =	sadd.s32 $0x1, s8  }
.LBB1_4:
0xf: {  	s29 =	sshra.s32 s29, $0x2;
	p1 =	sgt.s32 s14, $0xB3;
	s30 =	sshra.s32 s14, $0x1F  }
0x10: {  	s31 =	smov.u32 s13;
	s16 =	smov.u32 s0;
	s1 =	sshra.s32 s0, $0x1F;
	v5 =	vld [tilespmem:s26+$0xFFFFFFD0]  }
0x11: {  	v58 =	vld [tilespmem:s26+$0xFFFFFFE0];
	s28 =	sadd.s32 s29, s28;
	s29 =	smov.u32 s14;
	s30 =	sand.u32 s30, s14  }
0x12: {  	[tilespmem:s27+$0x2040 ss:$0x81] =	vst.msk $0xffff, v4;
	v59 =	vld [tilespmem:s26+$0xFFFFFFF0];
	s1 =	sand.u32 s1, s0;
	s29 =	simm.s32 @!p1 $0xB3;
	p1 =	sgt.s32 s13, $0x34  }
0x13: {  	[tilespmem:s27+$0x2850 ss:$0x81] =	vst.msk $0xffff, v3;
	v60 =	vld [tilespmem:s26+$0x0];
	s31 =	simm.s32 @!p1 $0x34;
	p1 =	sgt.s32 s0, $0x3;
	s29 =	ssub.s32 s29, s30  }
0x14: {  	[tilespmem:s27+$0x3060 ss:$0x81] =	vst.msk $0xffff, v2;
	v61 =	vld [tilespmem:s26+$0x10];
	s30 =	sshra.s32 s15, $0x1F;
	s16 =	simm.s32 @!p1 $0x3;
	p1 =	sgt.s32 s15, $0x80  }
0x15: {  	[tilespmem:s27+$0x0 ss:$0x81] =	vst.msk $0xffff, v0;
	v62 =	vld [tilespmem:s26+$0x20];
	s30 =	sand.u32 s30, s15;
	s27 =	ssub.s32 $0xB4, s31;
	s1 =	ssub.s32 s16, s1  }
0x16: {  	v63 =	vld [tilespmem:s26+$0xFFFFFFC0];
	s26 =	ssub.s32 $0xB4, s29;
	s16 =	smov.u32 s15;
	s2 =	sadd.s32 $0xFFFFFFFD, s1  }
0x17: {  	s16 =	simm.s32 @!p1 $0x80;
	s1 =	ssub.s32 $0x4, s1;
	p1 =	sgt.s32 s2, $0x0  }
0x18: {  	s2 =	sshll.u32 s15, $0x2;
	s16 =	ssub.s32 s16, s30;
	s30 =	sand.u32 $0x78, s15  }
0x19: {  	s2 =	sand.u32 $0x200, s2;
	s1 =	simm.s32 @p1 $0x0;
	s31 =	sadd.s32 $0xFFFFFF80, s16  }
0x1a: {  	[tilespmem:s28+$0x3870 ss:$0x81] =	vst.msk $0xffff, v1;
	s16 =	ssub.s32 $0x100, s16;
	p1 =	sgt.s32 s31, $0x7F;
	s1 =	smul.u32 s27, s1  }
0x1b: {  	[tilespmem:s28+$0x810 ss:$0x81] =	vst.msk $0xffff, v5;
	s27 =	sshll.u32 s0, $0x7;
	s31 =	sadd.s32 $0xFFFFFF4D, s29;
	s29 =	smul.u32 $0x5A00, s14  }
0x1c: {  	[tilespmem:s28+$0x1020 ss:$0x81] =	vst.msk $0xffff, v58;
	s16 =	simm.s32 @p1 $0x0;
	p1 =	sgt.s32 s31, $0x0;
	s27 =	sand.u32 $0x180, s27  }
0x1d: {  	[tilespmem:s28+$0x1830 ss:$0x81] =	vst.msk $0xffff, v59;
	s31 =	rddreg [dreg:$0x1];
	s1 =	smul.u32 s16, s1;
	s26 =	simm.s32 @p1 $0x0  }
0x1e: {  	[tilespmem:s28+$0x2040 ss:$0x81] =	vst.msk $0xffff, v60;
	s27 =	sor.u32 s30, s27;
	s16 =	sadd.s32 s31, s29;
	s29 =	sand.u32 $0x7, s15  }
0x1f: {  	[tilespmem:s28+$0x2850 ss:$0x81] =	vst.msk $0xffff, v61;
	s2 =	sor.u32 s2, s27;
	s1 =	smul.u32 s26, s1;
	s26 =	sshll.u32 s13, $0x7  }
0x20: {  	[tilespmem:s28+$0x3060 ss:$0x81] =	vst.msk $0xffff, v62;
	s30 =	sshll.u32 s29, $0x12;
	s2 =	sshrl.u32 s2, $0x3;
	s16 =	sadd.s32 s26, s16  }
0x21: {  	[tilespmem:s28+$0x0 ss:$0x81] =	vst.msk $0xffff, v63;
	s31 =	sor.u32 $0x80, s30;
	s1 =	sand.u32 $0x3FFFFFFF, s1;
	s2 =	sadd.s32 s2, s16  }
0x22: {  	[hbm4b:s2+s31] =	stream.strided.scatter [tilespmem:s25], [sflag:$0x2], s1, s12, s31, $0x20;
	[tilespmem:$0x10100] =	vst v63  }
.LBB1_5:
0x23: {  	p1 =	slt.u32 s20, $0x2  }
0x24: {  	s1 =	smov.u32 s24;
	p2 =	sgt.s32 @!p1 s24, $0xB3;
	p3 =	sgt.s32 @!p1 s21, $0x34  }
0x25: {  	s2 =	sshra.s32 @!p1 s24, $0x1F;
	s16 =	sshra.s32 @!p1 s23, $0x1F;
	p2 =	por !p2, p1  }
0x26: {  	s2 =	sand.u32 @!p1 s2, s24;
	s1 =	simm.s32 @p2 $0xB3;
	p2 =	por !p3, p1  }
0x27: {  	s16 =	sand.u32 @!p1 s16, s23;
	s21 =	simm.s32 @p2 $0x34;
	p2 =	sgt.s32 @!p1 s23, $0x3  }
0x28: {  	s1 =	ssub.s32 @!p1 s1, s2;
	s2 =	smov.u32 s23;
	p2 =	por !p2, p1  }
0x29: {  	s23 =	sshra.s32 @!p1 s22, $0x1F;
	s2 =	simm.s32 @p2 $0x3;
	p2 =	sgt.s32 @!p1 s22, $0x80  }
0x2a: {  	s2 =	ssub.s32 @!p1 s2, s16;
	p2 =	por !p2, p1;
	s16 =	smov.u32 s22  }
0x2b: {  	s22 =	sand.u32 @!p1 s23, s22;
	s23 =	sadd.s32 @!p1 $0xFFFFFFFD, s2;
	s16 =	simm.s32 @p2 $0x80  }
0x2c: {  	s21 =	ssub.s32 @!p1 $0xB4, s21;
	p2 =	sgt.s32 @!p1 s23, $0x0;
	s16 =	ssub.s32 @!p1 s16, s22  }
0x2d: {  	s2 =	ssub.s32 @!p1 $0x4, s2;
	p2 =	por !p2, p1;
	s22 =	sadd.s32 @!p1 $0xFFFFFF80, s16  }
0x2e: {  	s23 =	sadd.s32 @!p1 $0xFFFFFF4D, s1;
	s2 =	simm.s32 @!p2 $0x0;
	p2 =	sgt.s32 @!p1 s22, $0x7F  }
0x2f: {  	s16 =	ssub.s32 @!p1 $0x100, s16;
	p2 =	por !p2, p1;
	s2 =	smul.u32 @!p1 s21, s2  }
0x30: {  	s16 =	simm.s32 @!p2 $0x0;
	p2 =	sgt.s32 @!p1 s23, $0x0  }
0x31: {  	s1 =	ssub.s32 @!p1 $0xB4, s1;
	p2 =	por !p2, p1;
	s2 =	smul.u32 @!p1 s16, s2  }
0x32: {  	s1 =	simm.s32 @!p2 $0x0  }
0x33: {  	s25 =	smov.u32 s18;
	s1 =	smul.u32 @!p1 s1, s2;
	s2 =	sadd.s32 $0x2, s17  }
0x34: {  	s27 =	smov.u32 s19;
	s16 =	sadd.s32 $0x100, s18;
	p2 =	sgt.s32 s2, $0xB3  }
0x35: {  	s31 =	sadd.s32 $0x1, s20;
	p0 =	por !p0, !p0;
	s25 =	smov.u32 @p2 s16  }
0x36: {  	s2 =	smov.u32 @p2 s5;
	s16 =	sadd.s32 $0x4, s19;
	p2 =	sgt.s32 s25, $0xFF  }
0x37: {  	s26 =	simm.s32 @!p1 $0x2;
	s24 =	smov.u32 s14;
	s27 =	smov.u32 @p2 s16  }
0x38: {  	s14 =	smov.u32 s17;
	s25 =	smov.u32 @p2 s4;
	p2 =	sgt.s32 s27, $0x3  }
0x39: {  	s22 =	smov.u32 s15;
	s27 =	smov.u32 @p2 s9;
	p2 =	sne.s32 s20, s11  }
.Ltmp1:
0x3a: {  	s15 =	smov.u32 s18;
	s1 =	sand.u32 @!p1 $0x3FFFFFFF, s1;
	(pc) =	sbr.rel @!p2 .LBB1_6-.Ltmp1, $4  }
0x3b: {  	s21 =	smov.u32 s13;
	s13 =	smov.u32 s6;
	_ =	swait.ge @!p1 [sflag:s26], s1  }
0x3c: {  	s23 =	smov.u32 s0;
	s1 =	ssub.s32 @!p1 $0x0, s1;
	[sflag:s26] =	ssyncset.done @!p1 $0x0  }
0x3d: {  	s0 =	smov.u32 s19;
	s17 =	smov.u32 s2;
	[sflag:s26] =	ssyncadd.s32 @!p1 s1  }
0x3e: {  	s18 =	smov.u32 s25;
	s20 =	smov.u32 s31;
	s19 =	smov.u32 s27  }
.LBB1_1:
0x3f: {  	p1 =	sge.u32 s20, s8  }
0x40: {  	s25 =	sshll.u32 @!p1 s17, $0x8  }
0x41: {  	s26 =	sshll.u32 @!p1 s17, $0x7;
	s25 =	sand.u32 @!p1 $0xFFFFF800, s25  }
0x42: {  	s26 =	sand.u32 @!p1 $0x300, s26;
	s25 =	sor.u32 @!p1 s10, s25  }
0x43: {  	s25 =	sor.u32 @!p1 s26, s25  }
0x44: {  	s25 =	sshrl.u32 @!p1 s25, $0x8  }
0x45: {  	s26 =	smulhi.u32 @!p1 $0x1642C86, s25  }
0x46: {  	s27 =	smul.u32 @!p1 $0x170000, s19  }
0x47: {  	s26 =	smul.u32 @!p1 $0xB8, s26  }
0x48: {  	s31 =	sadd.s32 $0xFFFFFFFF, s20;
	s28 =	sxor.u32 @!p1 $0xFFFFFFFF, s20;
	s29 =	smul.u32 @!p1 $0x1700, s18  }
0x49: {  	s27 =	sadd.s32 @!p1 s3, s27;
	s25 =	ssub.s32 @!p1 s25, s26;
	s26 =	sshll.u32 @!p1 s17, $0x4  }
0x4a: {  	s28 =	sshll.u32 @!p1 s28, $0xE;
	s27 =	sadd.s32 @!p1 s29, s27;
	s26 =	sand.u32 @!p1 $0x10, s26  }
0x4b: {  	s28 =	sand.u32 @!p1 $0x4000, s28;
	s25 =	sshll.u32 @!p1 s25, $0x5;
	s26 =	sadd.s32 @!p1 s26, s27  }
0x4c: {  	s27 =	simm.s32 @!p1 $0xB800;
	s25 =	sadd.s32 @!p1 s25, s26;
	s26 =	simm.s32 @!p1 $0x80  }
0x4d: {  	[tilespmem:s28], [sflag:$0x1] =	stream.strided.gather @!p1 [hbm4b:s25+s26], $0x4000, s27, s26, $0x38;
	[tilespmem:$0x10100] =	vst v63  }
0x4e: {  	p1 =	sge.u32 s31, s8  }
.Ltmp2:
0x4f: {  	_ = 	snop;
	(pc) =	sbr.rel @p1 .LBB1_5-.Ltmp2, $1  }
0x50: {  	_ =	sdelay $0x3  }
0x51: {  	s25 =	simm.s32 $0x1  }
0x52: {  	_ =	swait.ge [sflag:s7], $0x4000;
	s25 =	simm.s32 @!p0 $0x0  }
0x53: {  	[sflag:s7] =	ssyncset.done $0x0;
	s26 =	sshll.u32 s25, $0xE  }
0x54: {  	[sflag:s7] =	ssyncadd.s32 $0xFFFFC000;
	s26 =	sor.u32 $0x40, s26  }
0x55: {  	s25 =	smul.u32 $0x10200, s25;
	v0 =	vld [tilespmem:s26+$0x30]  }
0x56: {  	v1 =	vld [tilespmem:s26+$0xFFFFFFD0]  }
0x57: {  	s25 =	sshrl.u32 s25, $0x2;
	v5 =	vld [tilespmem:s26+$0xFFFFFFE0]  }
0x58: {  	v6 =	vld [tilespmem:s26+$0xFFFFFFF0];
	s28 =	sor.u32 $0x8000, s25  }
0x59: {  	s31 =	sand.u32 $0x1, s20;
	v4 =	vld [tilespmem:s26+$0x0];
	s27 =	sadd.s32 $0x0, s28  }
0x5a: {  	v3 =	vld [tilespmem:s26+$0x10];
	s25 =	smul.u32 $0x10200, s31;
	[tilespmem:s27+$0x3870 ss:$0x81] =	vst.msk $0xffff, v0  }
0x5b: {  	v2 =	vld [tilespmem:s26+$0x20];
	[tilespmem:s27+$0x810 ss:$0x81] =	vst.msk $0xffff, v1  }
0x5c: {  	s25 =	sshrl.u32 s25, $0x2;
	v0 =	vld [tilespmem:s26+$0xFFFFFFC0];
	[tilespmem:s27+$0x1020 ss:$0x81] =	vst.msk $0xffff, v5;
	s26 =	sadd.s32 $0x80, s26  }
0x5d: {  	s29 =	simm.s32 $0x4;
	s30 =	simm.s32 $0x8;
	s25 =	sor.u32 $0x8000, s25;
	[tilespmem:s27+$0x1830 ss:$0x81] =	vst.msk $0xffff, v6;
	v1 =	vld [tilespmem:s26+$0x30]  }
.LBB1_3:
0x5e: {  	p1 =	sne.s32 s30, $0x1FC;
	v5 =	vld [tilespmem:s26+$0xFFFFFFD0];
	[tilespmem:s27+$0x2040 ss:$0x81] =	vst.msk $0xffff, v4  }
0x5f: {  	v6 =	vld [tilespmem:s26+$0xFFFFFFE0];
	[tilespmem:s27+$0x2850 ss:$0x81] =	vst.msk $0xffff, v3  }
0x60: {  	s31 =	sshra.s32 s29, $0x2;
	s29 =	smov.u32 s30;
	v7 =	vld [tilespmem:s26+$0xFFFFFFF0];
	[tilespmem:s27+$0x3060 ss:$0x81] =	vst.msk $0xffff, v2  }
.Ltmp3:
0x61: {  	v4 =	vld [tilespmem:s26+$0x0];
	[tilespmem:s27+$0x0 ss:$0x81] =	vst.msk $0xffff, v0;
	s27 =	sadd.s32 s31, s28;
	(pc) =	sbr.rel @p1 .LBB1_3-.Ltmp3, $4  }
0x62: {  	v3 =	vld [tilespmem:s26+$0x10];
	[tilespmem:s27+$0x3870 ss:$0x81] =	vst.msk $0xffff, v1  }
0x63: {  	[tilespmem:s27+$0x810 ss:$0x81] =	vst.msk $0xffff, v5;
	v2 =	vld [tilespmem:s26+$0x20]  }
0x64: {  	v0 =	vld [tilespmem:s26+$0xFFFFFFC0];
	[tilespmem:s27+$0x1020 ss:$0x81] =	vst.msk $0xffff, v6;
	s26 =	sadd.s32 $0x80, s26  }
0x65: {  	s30 =	sadd.s32 $0x4, s30;
	v1 =	vld [tilespmem:s26+$0x30];
	[tilespmem:s27+$0x1830 ss:$0x81] =	vst.msk $0xffff, v7  }
.Ltmp4:
0x66: {  	_ = 	snop;
	(pc) =	sbr.rel .LBB1_4-.Ltmp4, $1  }
0x67: {  	_ =	sdelay $0x3  }
.LBB1_6:
0x68: {  	_ =	sfence.sel $0x180000  }
0x69: {  	s0 =	simm.s32 $0x1;
	[bflag:$0x0] =	sbarrier.arrive $0xFFFF  }
0x6a: {  	s30 =	simm.s32 $0x2;
	[sflag:s0] =	ssyncpa.u1 $0x1  }
0x6b: {  	[sflag:s30] =	ssyncpa.u1 $0x1  }
0x6c: {  	_ =	strace $0x90000047  }
0x6d: {  	s31 =	stileid.u32;
	[bflag:$0x2] =	sbarrier.arrive $0xFFFF  }
0x6e: {  	p0 =	sne.s32 s31, $0x0;
	s0 =	rddreg [dreg:$0x2]  }
0x6f: {  	s0 =	sadd.s32 @!p0 $0x100000, s0  }
0x70: {  	[sflag:s0] =	ssyncadd.tile.s32 @!p0 $0x1;
	_ =	shalt  }
.Lfunc_end1:
_tile_overlayer_lowered:
.L_overlay_start_2:
0x71: {  	(tag) =	ssettag $0x2  }
0x72: {  	s0 =	rddreg [dreg:$0x0];
	s2 =	stileid.u32  }
0x73: {  	s1 =	rddreg [dreg:$0x1];
	p0 =	sne.s32 s2, $0x0  }
0x74: {  	s3 =	rddreg [dreg:$0x2];
	[bflag:$0x3] =	sbarrier.arrive $0xFFFF;
	s2 =	simm.s32 @!p0 $0x1C01  }
0x75: {  	[timem:s3], [sflag:s2] =	dma.local @!p0 [hbm:s0], s1  }
0x76: {  	s0 =	simm.s32 @!p0 $0x1  }
0x77: {  	_ =	swait.ge @!p0 [sflag:s0], s1  }
0x78: {  	s1 =	ssub.s32 @!p0 $0x0, s1;
	[sflag:s0] =	ssyncset.done @!p0 $0x0  }
0x79: {  	[sflag:s0] =	ssyncadd.s32 @!p0 s1  }
0x7a: {  	[bflag:$0x3] =	sbarrier.arrive $0xFFFF  }
0x7b: {  	_ =	shalt  }

// kernel: sparse-core-data-format-call.cloned.1.call-start
scs
called_computation_lowered:
.L_overlay_start_0:
0x0: {  	s2 =	sld [smem:$0x3FD9]  }
0x1: {  	s3 =	sld [smem:$0x3FFE];
	_ =	sdelay $0x1  }
0x2: {  	s1 =	srdreg.scid  }
0x3: {  	s0 =	sand.u32 $0x1, s1  }
0x4: {  	s16 =	sshll.u32 s0, $0xA;
	s2 =	sadd.s32 s3, s2  }
0x5: {  	s2 =	sadd.s32 s2, s16  }
0x6: {  	[smem:$0x3FC6] =	sst s2  }
0x7: {  	_ = 	snop  }
0x8: {  	s2 =	sld [smem:$0x3FD0];
	_ =	sdelay $0x2  }
0x9: {  	s17 =	simm.s32 $0xB;
	s4 =	simm.s32 $0x10  }
0xa: {  	[smem:s4], [sflag:s17] =	dma.local [hbm:s2], $0x1  }
0xb: {  	_ =	swait.eq [sflag:s17], $0x1  }
0xc: {  	[sflag:s17] =	ssyncset.done $0x0  }
0xd: {  	[sflag:s17] =	ssyncadd.s32 $0xFFFFFFFF  }
0xe: {  	s18 =	sld [smem:$0x11];
	(tm) =	ssettm $0x1  }
0xf: {  	s19 =	sld [smem:$0x3FFB];
	_ =	sdelay $0x3  }
0x10: {  	_ =	strace s19  }
0x11: {  	s2 =	sld [smem:$0x3FFC];
	_ =	sdelay $0x3  }
0x12: {  	_ =	strace s2  }
0x13: {  	s2 =	sld [smem:$0x3FFD];
	_ =	sdelay $0x3  }
0x14: {  	_ =	strace s2  }
0x15: {  	_ =	strace $0x8FFFFFFF  }
0x16: {  	s20 =	sld [smem:$0x3FDB];
	_ =	sdelay $0x1  }
0x17: {  	s21 =	simm.s32 $_scs_section_size  }
0x18: {  	s5 =	simm.s32 $_size__tile_overlayer_lowered;
	s6 =	simm.s32 $_tile_overlayer_lowered  }
0x19: {  	s7 =	simm.s32 $0x1BFF;
	s22 =	sshll.u32 s6, $0x1;
	s4 =	sadd.s32 s21, s20  }
0x1a: {  	s23 =	simm.s32 $0x0;
	s5 =	sshll.u32 s5, $0x1;
	s6 =	sadd.s32 s22, s4  }
0x1b: {  	[timem:s23], [sflag:s7] =	dma.local [hbm:s6], s5  }
0x1c: {  	_ =	swait.ge [sflag:s7], s5  }
0x1d: {  	s5 =	ssub.s32 $0x0, s5;
	[sflag:s7] =	ssyncset.done $0x0  }
0x1e: {  	[sflag:s7] =	ssyncadd.s32 s5;
	_ =	sdelay $0x1  }
0x1f: {  	s24 =	simm.s32 $0x1B8B  }
0x20: {  	_ =	swait.ge [sflag:s24], $0x1  }
0x21: {  	[sflag:s24] =	ssyncset.done $0x0  }
0x22: {  	[sflag:s24] =	ssyncadd.s32 $0xFFFFFFFF  }
0x23: {  	s5 =	sld [smem:$0x0]  }
0x24: {  	s6 =	sand.u32 $0xFFFFFFFE, s1  }
0x25: {  	p0 =	sne.s32 s1, s6  }
0x26: {  	s6 =	sshll.u32 @p0 s6, $0xE  }
0x27: {  	s6 =	sadd.s32 @p0 $0x11B8D, s6;
	s7 =	sshll.u32 @p0 s5, $0x11  }
0x28: {  	s6 =	sor.u32 @p0 s7, s6  }
0x29: {  	[sflag:s6] =	ssyncadd.remote.s32 @p0 $0x1;
	_ =	sdelay $0x1  }
0x2a: {  	s6 =	simm.s32 @p0 $0x1B8D  }
0x2b: {  	_ =	swait.eq @p0 [sflag:s6], $0x1  }
0x2c: {  	[sflag:s6] =	ssyncadd.s32 @p0 $0xFFFFFFFF  }
0x2d: {  	s7 =	sshll.u32 @!p0 s1, $0xE  }
0x2e: {  	s7 =	sor.u32 @!p0 $0x4000, s7;
	s6 =	simm.s32 @!p0 $0x1B8D  }
0x2f: {  	s5 =	sshll.u32 @!p0 s5, $0x11;
	s7 =	sadd.s32 @!p0 $0x11B8D, s7;
	_ =	swait.eq @!p0 [sflag:s6], $0x1  }
0x30: {  	s5 =	sor.u32 @!p0 s5, s7;
	[sflag:s6] =	ssyncadd.s32 @!p0 $0xFFFFFFFF  }
0x31: {  	s26 =	simm.s32 $0x1B8E;
	s25 =	sld [smem:$0x3FFE];
	[sflag:s5] =	ssyncadd.remote.s32 @!p0 $0x1  }
0x32: {  	s27 =	simm.s32 $execute0_lowered;
	[smem:$0x3FD2] =	sst s26  }
0x33: {  	s6 =	sshll.u32 s27, $0x1;
	_ =	strace $0x80000049;
	[dreg:$0x1] =	wrdreg $0xFFFFFFFF  }
0x34: {  	s28 =	simm.s32 $_size_execute0_lowered;
	s4 =	sadd.s32 s4, s6;
	[dreg:$0x0] =	wrdreg $0x0  }
0x35: {  	s6 =	sshll.u32 s28, $0x1;
	[dreg:$0x2] =	wrdreg s4  }
0x36: {  	[dreg:$0x3] =	wrdreg s6  }
0x37: {  	[dreg:$0x4] =	wrdreg $0xC0  }
0x38: {  	_ =	task [dreg:s23], $0x5FFFF  }
0x39: {  	[dreg:$0x1] =	wrdreg $0xFFFFFFFF  }
0x3a: {  	[dreg:$0x0] =	wrdreg $0x60  }
0x3b: {  	[dreg:$0x2] =	wrdreg s25  }
0x3c: {  	[dreg:$0x3] =	wrdreg s18  }
0x3d: {  	[dreg:$0x4] =	wrdreg $0x9  }
0x3e: {  	_ =	task.clear_ibuf [dreg:s23], $0x5FFFF;
	_ =	strace $0x90000049  }
0x3f: {  	s29 =	simm.s32 $0x9;
	_ =	strace $0x8000004B  }
0x40: {  	_ =	swait.ge [sflag:s29], $0x1  }
0x41: {  	[sflag:s29] =	ssyncadd.s32 $0xFFFFFFFF  }
0x42: {  	_ =	strace $0x9000004B  }
0x43: {  	_ =	sfence  }
0x44: {  	s30 =	sld [smem:$0x0];
	_ =	sdelay $0x2  }
0x45: {  	s31 =	sshll.u32 s1, $0xD;
	s1 =	sshrl.u32 s1, $0x2  }
0x46: {  	s4 =	sand.u32 $0x4000, s31;
	s1 =	sadd.s32 s1, s30  }
0x47: {  	s0 =	sor.u32 s4, s0;
	s1 =	sshll.u32 s1, $0x11  }
0x48: {  	s0 =	sor.u32 s1, s0  }
0x49: {  	s0 =	sadd.s32 $0x8F2B, s0  }
0x4a: {  	[sflag:s0] =	ssyncadd.remote.s32 $0x1  }
0x4b: {  	_ =	sfence.sel $0xFFFF  }
0x4c: {  	[dreg:$0x0] =	wrdreg $0xFFFFFFFF;
	(pc) =	sbr.abs _section_cstart, $3  }
0x4d: {  	[dreg:$0x1] =	wrdreg $0xFFFFFFFF  }
0x4e: {  	_ =	task.clear_ibuf [dreg:s23], $0x2FFFF;
	_ =	strace $0x9FFFFFFF  }
0x4f: {  	(tm) =	ssettm $0x7FFFFFFF  }
tec
execute0_lowered:
.L_overlay_start_1:
0x0: {  	(tag) =	ssettag $0x1  }
0x1: {  	s3 =	rddreg [dreg:$0x0];
	s0 =	stileid.u32;
	_ =	strace $0x8000004A  }
0x2: {  	s5 =	srdreg.scid;
	s31 =	simm.s32 $0x2;
	s21 =	simm.s32 $0x0  }
0x3: {  	p0 =	por $0x0, $0x0;
	s12 =	simm.s32 $0x400;
	s24 =	simm.s32 $0x0  }
0x4: {  	s22 =	simm.s32 $0x0;
	s23 =	simm.s32 $0x0;
	s13 =	simm.s32 $0x0  }
0x5: {  	s14 =	simm.s32 $0x0;
	s15 =	simm.s32 $0x0;
	s20 =	simm.s32 $0x0  }
0x6: {  	s4 =	sshll.u32 s0, $0x5;
	s3 =	sadd.s32 $0xDA9A00, s3;
	s6 =	sshll.u32 s5, $0x7  }
0x7: {  	s5 =	sshrl.u32 s0, $0x3;
	s4 =	sand.u32 $0x80, s4;
	s6 =	sand.u32 $0x80, s6  }
0x8: {  	s9 =	ssub.s32 $0xB4, s5;
	s17 =	smov.u32 s5;
	s7 =	ssub.s32 $0x100, s4  }
0x9: {  	s11 =	sshrl.u32 s9, $0x1;
	s8 =	sshrl.u32 s7, $0x8;
	s7 =	sshrl.u32 s7, $0x7  }
.Ltmp0:
0xa: {  	s9 =	sand.u32 $0x1, s9;
	s10 =	sand.u32 $0x1, s7;
	(pc) =	sbr.rel .LBB1_1-.Ltmp0, $4  }
0xb: {  	s9 =	sadd.s32 s9, s11;
	s7 =	simm.s32 $0x1;
	s8 =	sadd.s32 s8, s10  }
0xc: {  	s18 =	smov.u32 s4;
	[sflag:s7] =	ssyncpa.u1 $0x0;
	s8 =	smul.u32 s9, s8  }
0xd: {  	s10 =	sshll.u32 s6, $0x3;
	s9 =	sand.u32 $0x3, s0;
	[sflag:s31] =	ssyncpa.u1 $0x0  }
0xe: {  	s0 =	simm.s32 $0x0;
	s19 =	smov.u32 s9;
	s11 =	sadd.s32 $0x1, s8  }
.LBB1_4:
0xf: {  	s29 =	sshra.s32 s29, $0x2;
	p1 =	sgt.s32 s14, $0xB3;
	s30 =	sshra.s32 s14, $0x1F  }
0x10: {  	s31 =	smov.u32 s13;
	s16 =	smov.u32 s0;
	s1 =	sshra.s32 s0, $0x1F;
	v5 =	vld [tilespmem:s26+$0xFFFFFFD0]  }
0x11: {  	v58 =	vld [tilespmem:s26+$0xFFFFFFE0];
	s28 =	sadd.s32 s29, s28;
	s29 =	smov.u32 s14;
	s30 =	sand.u32 s30, s14  }
0x12: {  	[tilespmem:s27+$0x2040 ss:$0x81] =	vst.msk $0xffff, v4;
	v59 =	vld [tilespmem:s26+$0xFFFFFFF0];
	s1 =	sand.u32 s1, s0;
	s29 =	simm.s32 @!p1 $0xB3;
	p1 =	sgt.s32 s13, $0x34  }
0x13: {  	[tilespmem:s27+$0x2850 ss:$0x81] =	vst.msk $0xffff, v3;
	v60 =	vld [tilespmem:s26+$0x0];
	s31 =	simm.s32 @!p1 $0x34;
	p1 =	sgt.s32 s0, $0x3;
	s29 =	ssub.s32 s29, s30  }
0x14: {  	[tilespmem:s27+$0x3060 ss:$0x81] =	vst.msk $0xffff, v2;
	v61 =	vld [tilespmem:s26+$0x10];
	s30 =	sshra.s32 s15, $0x1F;
	s16 =	simm.s32 @!p1 $0x3;
	p1 =	sgt.s32 s15, $0x80  }
0x15: {  	[tilespmem:s27+$0x0 ss:$0x81] =	vst.msk $0xffff, v0;
	v62 =	vld [tilespmem:s26+$0x20];
	s30 =	sand.u32 s30, s15;
	s27 =	ssub.s32 $0xB4, s31;
	s1 =	ssub.s32 s16, s1  }
0x16: {  	v63 =	vld [tilespmem:s26+$0xFFFFFFC0];
	s26 =	ssub.s32 $0xB4, s29;
	s16 =	smov.u32 s15;
	s2 =	sadd.s32 $0xFFFFFFFD, s1  }
0x17: {  	s16 =	simm.s32 @!p1 $0x80;
	s1 =	ssub.s32 $0x4, s1;
	p1 =	sgt.s32 s2, $0x0  }
0x18: {  	s2 =	sshll.u32 s15, $0x2;
	s16 =	ssub.s32 s16, s30;
	s30 =	sand.u32 $0x78, s15  }
0x19: {  	s2 =	sand.u32 $0x200, s2;
	s1 =	simm.s32 @p1 $0x0;
	s31 =	sadd.s32 $0xFFFFFF80, s16  }
0x1a: {  	[tilespmem:s28+$0x3870 ss:$0x81] =	vst.msk $0xffff, v1;
	s16 =	ssub.s32 $0x100, s16;
	p1 =	sgt.s32 s31, $0x7F;
	s1 =	smul.u32 s27, s1  }
0x1b: {  	[tilespmem:s28+$0x810 ss:$0x81] =	vst.msk $0xffff, v5;
	s27 =	sshll.u32 s0, $0x7;
	s31 =	sadd.s32 $0xFFFFFF4D, s29;
	s29 =	smul.u32 $0x5A00, s14  }
0x1c: {  	[tilespmem:s28+$0x1020 ss:$0x81] =	vst.msk $0xffff, v58;
	s16 =	simm.s32 @p1 $0x0;
	p1 =	sgt.s32 s31, $0x0;
	s27 =	sand.u32 $0x180, s27  }
0x1d: {  	[tilespmem:s28+$0x1830 ss:$0x81] =	vst.msk $0xffff, v59;
	s31 =	rddreg [dreg:$0x1];
	s1 =	smul.u32 s16, s1;
	s26 =	simm.s32 @p1 $0x0  }
0x1e: {  	[tilespmem:s28+$0x2040 ss:$0x81] =	vst.msk $0xffff, v60;
	s27 =	sor.u32 s30, s27;
	s16 =	sadd.s32 s31, s29;
	s29 =	sand.u32 $0x7, s15  }
0x1f: {  	[tilespmem:s28+$0x2850 ss:$0x81] =	vst.msk $0xffff, v61;
	s2 =	sor.u32 s2, s27;
	s1 =	smul.u32 s26, s1;
	s26 =	sshll.u32 s13, $0x7  }
0x20: {  	[tilespmem:s28+$0x3060 ss:$0x81] =	vst.msk $0xffff, v62;
	s30 =	sshll.u32 s29, $0x12;
	s2 =	sshrl.u32 s2, $0x3;
	s16 =	sadd.s32 s26, s16  }
0x21: {  	[tilespmem:s28+$0x0 ss:$0x81] =	vst.msk $0xffff, v63;
	s31 =	sor.u32 $0x80, s30;
	s1 =	sand.u32 $0x3FFFFFFF, s1;
	s2 =	sadd.s32 s2, s16  }
0x22: {  	[hbm4b:s2+s31] =	stream.strided.scatter [tilespmem:s25], [sflag:$0x2], s1, s12, s31, $0x20;
	[tilespmem:$0x10100] =	vst v63  }
.LBB1_5:
0x23: {  	p1 =	slt.u32 s20, $0x2  }
0x24: {  	s1 =	smov.u32 s24;
	p2 =	sgt.s32 @!p1 s24, $0xB3;
	p3 =	sgt.s32 @!p1 s21, $0x34  }
0x25: {  	s2 =	sshra.s32 @!p1 s24, $0x1F;
	s16 =	sshra.s32 @!p1 s23, $0x1F;
	p2 =	por !p2, p1  }
0x26: {  	s2 =	sand.u32 @!p1 s2, s24;
	s1 =	simm.s32 @p2 $0xB3;
	p2 =	por !p3, p1  }
0x27: {  	s16 =	sand.u32 @!p1 s16, s23;
	s21 =	simm.s32 @p2 $0x34;
	p2 =	sgt.s32 @!p1 s23, $0x3  }
0x28: {  	s1 =	ssub.s32 @!p1 s1, s2;
	s2 =	smov.u32 s23;
	p2 =	por !p2, p1  }
0x29: {  	s23 =	sshra.s32 @!p1 s22, $0x1F;
	s2 =	simm.s32 @p2 $0x3;
	p2 =	sgt.s32 @!p1 s22, $0x80  }
0x2a: {  	s2 =	ssub.s32 @!p1 s2, s16;
	p2 =	por !p2, p1;
	s16 =	smov.u32 s22  }
0x2b: {  	s22 =	sand.u32 @!p1 s23, s22;
	s23 =	sadd.s32 @!p1 $0xFFFFFFFD, s2;
	s16 =	simm.s32 @p2 $0x80  }
0x2c: {  	s21 =	ssub.s32 @!p1 $0xB4, s21;
	p2 =	sgt.s32 @!p1 s23, $0x0;
	s16 =	ssub.s32 @!p1 s16, s22  }
0x2d: {  	s2 =	ssub.s32 @!p1 $0x4, s2;
	p2 =	por !p2, p1;
	s22 =	sadd.s32 @!p1 $0xFFFFFF80, s16  }
0x2e: {  	s23 =	sadd.s32 @!p1 $0xFFFFFF4D, s1;
	s2 =	simm.s32 @!p2 $0x0;
	p2 =	sgt.s32 @!p1 s22, $0x7F  }
0x2f: {  	s16 =	ssub.s32 @!p1 $0x100, s16;
	p2 =	por !p2, p1;
	s2 =	smul.u32 @!p1 s21, s2  }
0x30: {  	s16 =	simm.s32 @!p2 $0x0;
	p2 =	sgt.s32 @!p1 s23, $0x0  }
0x31: {  	s1 =	ssub.s32 @!p1 $0xB4, s1;
	p2 =	por !p2, p1;
	s2 =	smul.u32 @!p1 s16, s2  }
0x32: {  	s1 =	simm.s32 @!p2 $0x0  }
0x33: {  	s25 =	smov.u32 s18;
	s1 =	smul.u32 @!p1 s1, s2;
	s2 =	sadd.s32 $0x2, s17  }
0x34: {  	s27 =	smov.u32 s19;
	s16 =	sadd.s32 $0x100, s18;
	p2 =	sgt.s32 s2, $0xB3  }
0x35: {  	s31 =	sadd.s32 $0x1, s20;
	p0 =	por !p0, !p0;
	s25 =	smov.u32 @p2 s16  }
0x36: {  	s2 =	smov.u32 @p2 s5;
	s16 =	sadd.s32 $0x4, s19;
	p2 =	sgt.s32 s25, $0xFF  }
0x37: {  	s26 =	simm.s32 @!p1 $0x2;
	s24 =	smov.u32 s14;
	s27 =	smov.u32 @p2 s16  }
0x38: {  	s14 =	smov.u32 s17;
	s25 =	smov.u32 @p2 s4;
	p2 =	sgt.s32 s27, $0x3  }
0x39: {  	s22 =	smov.u32 s15;
	s27 =	smov.u32 @p2 s9;
	p2 =	sne.s32 s20, s11  }
.Ltmp1:
0x3a: {  	s15 =	smov.u32 s18;
	s1 =	sand.u32 @!p1 $0x3FFFFFFF, s1;
	(pc) =	sbr.rel @!p2 .LBB1_6-.Ltmp1, $4  }
0x3b: {  	s21 =	smov.u32 s13;
	s13 =	smov.u32 s6;
	_ =	swait.ge @!p1 [sflag:s26], s1  }
0x3c: {  	s23 =	smov.u32 s0;
	s1 =	ssub.s32 @!p1 $0x0, s1;
	[sflag:s26] =	ssyncset.done @!p1 $0x0  }
0x3d: {  	s0 =	smov.u32 s19;
	s17 =	smov.u32 s2;
	[sflag:s26] =	ssyncadd.s32 @!p1 s1  }
0x3e: {  	s18 =	smov.u32 s25;
	s20 =	smov.u32 s31;
	s19 =	smov.u32 s27  }
.LBB1_1:
0x3f: {  	p1 =	sge.u32 s20, s8  }
0x40: {  	s25 =	sshll.u32 @!p1 s17, $0x8  }
0x41: {  	s26 =	sshll.u32 @!p1 s17, $0x7;
	s25 =	sand.u32 @!p1 $0xFFFFF800, s25  }
0x42: {  	s26 =	sand.u32 @!p1 $0x300, s26;
	s25 =	sor.u32 @!p1 s10, s25  }
0x43: {  	s25 =	sor.u32 @!p1 s26, s25  }
0x44: {  	s25 =	sshrl.u32 @!p1 s25, $0x8  }
0x45: {  	s26 =	smulhi.u32 @!p1 $0x1642C86, s25  }
0x46: {  	s27 =	smul.u32 @!p1 $0x170000, s19  }
0x47: {  	s26 =	smul.u32 @!p1 $0xB8, s26  }
0x48: {  	s31 =	sadd.s32 $0xFFFFFFFF, s20;
	s28 =	sxor.u32 @!p1 $0xFFFFFFFF, s20;
	s29 =	smul.u32 @!p1 $0x1700, s18  }
0x49: {  	s27 =	sadd.s32 @!p1 s3, s27;
	s25 =	ssub.s32 @!p1 s25, s26;
	s26 =	sshll.u32 @!p1 s17, $0x4  }
0x4a: {  	s28 =	sshll.u32 @!p1 s28, $0xE;
	s27 =	sadd.s32 @!p1 s29, s27;
	s26 =	sand.u32 @!p1 $0x10, s26  }
0x4b: {  	s28 =	sand.u32 @!p1 $0x4000, s28;
	s25 =	sshll.u32 @!p1 s25, $0x5;
	s26 =	sadd.s32 @!p1 s26, s27  }
0x4c: {  	s27 =	simm.s32 @!p1 $0xB800;
	s25 =	sadd.s32 @!p1 s25, s26;
	s26 =	simm.s32 @!p1 $0x80  }
0x4d: {  	[tilespmem:s28], [sflag:$0x1] =	stream.strided.gather @!p1 [hbm4b:s25+s26], $0x4000, s27, s26, $0x38;
	[tilespmem:$0x10100] =	vst v63  }
0x4e: {  	p1 =	sge.u32 s31, s8  }
.Ltmp2:
0x4f: {  	_ = 	snop;
	(pc) =	sbr.rel @p1 .LBB1_5-.Ltmp2, $1  }
0x50: {  	_ =	sdelay $0x3  }
0x51: {  	s25 =	simm.s32 $0x1  }
0x52: {  	_ =	swait.ge [sflag:s7], $0x4000;
	s25 =	simm.s32 @!p0 $0x0  }
0x53: {  	[sflag:s7] =	ssyncset.done $0x0;
	s26 =	sshll.u32 s25, $0xE  }
0x54: {  	[sflag:s7] =	ssyncadd.s32 $0xFFFFC000;
	s26 =	sor.u32 $0x40, s26  }
0x55: {  	s25 =	smul.u32 $0x10200, s25;
	v0 =	vld [tilespmem:s26+$0x30]  }
0x56: {  	v1 =	vld [tilespmem:s26+$0xFFFFFFD0]  }
0x57: {  	s25 =	sshrl.u32 s25, $0x2;
	v5 =	vld [tilespmem:s26+$0xFFFFFFE0]  }
0x58: {  	v6 =	vld [tilespmem:s26+$0xFFFFFFF0];
	s28 =	sor.u32 $0x8000, s25  }
0x59: {  	s31 =	sand.u32 $0x1, s20;
	v4 =	vld [tilespmem:s26+$0x0];
	s27 =	sadd.s32 $0x0, s28  }
0x5a: {  	v3 =	vld [tilespmem:s26+$0x10];
	s25 =	smul.u32 $0x10200, s31;
	[tilespmem:s27+$0x3870 ss:$0x81] =	vst.msk $0xffff, v0  }
0x5b: {  	v2 =	vld [tilespmem:s26+$0x20];
	[tilespmem:s27+$0x810 ss:$0x81] =	vst.msk $0xffff, v1  }
0x5c: {  	s25 =	sshrl.u32 s25, $0x2;
	v0 =	vld [tilespmem:s26+$0xFFFFFFC0];
	[tilespmem:s27+$0x1020 ss:$0x81] =	vst.msk $0xffff, v5;
	s26 =	sadd.s32 $0x80, s26  }
0x5d: {  	s29 =	simm.s32 $0x4;
	s30 =	simm.s32 $0x8;
	s25 =	sor.u32 $0x8000, s25;
	[tilespmem:s27+$0x1830 ss:$0x81] =	vst.msk $0xffff, v6;
	v1 =	vld [tilespmem:s26+$0x30]  }
.LBB1_3:
0x5e: {  	p1 =	sne.s32 s30, $0x1FC;
	v5 =	vld [tilespmem:s26+$0xFFFFFFD0];
	[tilespmem:s27+$0x2040 ss:$0x81] =	vst.msk $0xffff, v4  }
0x5f: {  	v6 =	vld [tilespmem:s26+$0xFFFFFFE0];
	[tilespmem:s27+$0x2850 ss:$0x81] =	vst.msk $0xffff, v3  }
0x60: {  	s31 =	sshra.s32 s29, $0x2;
	s29 =	smov.u32 s30;
	v7 =	vld [tilespmem:s26+$0xFFFFFFF0];
	[tilespmem:s27+$0x3060 ss:$0x81] =	vst.msk $0xffff, v2  }
.Ltmp3:
0x61: {  	v4 =	vld [tilespmem:s26+$0x0];
	[tilespmem:s27+$0x0 ss:$0x81] =	vst.msk $0xffff, v0;
	s27 =	sadd.s32 s31, s28;
	(pc) =	sbr.rel @p1 .LBB1_3-.Ltmp3, $4  }
0x62: {  	v3 =	vld [tilespmem:s26+$0x10];
	[tilespmem:s27+$0x3870 ss:$0x81] =	vst.msk $0xffff, v1  }
0x63: {  	[tilespmem:s27+$0x810 ss:$0x81] =	vst.msk $0xffff, v5;
	v2 =	vld [tilespmem:s26+$0x20]  }
0x64: {  	v0 =	vld [tilespmem:s26+$0xFFFFFFC0];
	[tilespmem:s27+$0x1020 ss:$0x81] =	vst.msk $0xffff, v6;
	s26 =	sadd.s32 $0x80, s26  }
0x65: {  	s30 =	sadd.s32 $0x4, s30;
	v1 =	vld [tilespmem:s26+$0x30];
	[tilespmem:s27+$0x1830 ss:$0x81] =	vst.msk $0xffff, v7  }
.Ltmp4:
0x66: {  	_ = 	snop;
	(pc) =	sbr.rel .LBB1_4-.Ltmp4, $1  }
0x67: {  	_ =	sdelay $0x3  }
.LBB1_6:
0x68: {  	_ =	sfence.sel $0x180000  }
0x69: {  	s0 =	simm.s32 $0x1;
	[bflag:$0x0] =	sbarrier.arrive $0xFFFF  }
0x6a: {  	s30 =	simm.s32 $0x2;
	[sflag:s0] =	ssyncpa.u1 $0x1  }
0x6b: {  	[sflag:s30] =	ssyncpa.u1 $0x1  }
0x6c: {  	_ =	strace $0x9000004A  }
0x6d: {  	s31 =	stileid.u32;
	[bflag:$0x2] =	sbarrier.arrive $0xFFFF  }
0x6e: {  	p0 =	sne.s32 s31, $0x0;
	s0 =	rddreg [dreg:$0x2]  }
0x6f: {  	s0 =	sadd.s32 @!p0 $0x100000, s0  }
0x70: {  	[sflag:s0] =	ssyncadd.tile.s32 @!p0 $0x1;
	_ =	shalt  }
.Lfunc_end1:
_tile_overlayer_lowered:
.L_overlay_start_2:
0x71: {  	(tag) =	ssettag $0x2  }
0x72: {  	s0 =	rddreg [dreg:$0x0];
	s2 =	stileid.u32  }
0x73: {  	s1 =	rddreg [dreg:$0x1];
	p0 =	sne.s32 s2, $0x0  }
0x74: {  	s3 =	rddreg [dreg:$0x2];
	[bflag:$0x3] =	sbarrier.arrive $0xFFFF;
	s2 =	simm.s32 @!p0 $0x1C01  }
0x75: {  	[timem:s3], [sflag:s2] =	dma.local @!p0 [hbm:s0], s1  }
0x76: {  	s0 =	simm.s32 @!p0 $0x1  }
0x77: {  	_ =	swait.ge @!p0 [sflag:s0], s1  }
0x78: {  	s1 =	ssub.s32 @!p0 $0x0, s1;
	[sflag:s0] =	ssyncset.done @!p0 $0x0  }
0x79: {  	[sflag:s0] =	ssyncadd.s32 @!p0 s1  }
0x7a: {  	[bflag:$0x3] =	sbarrier.arrive $0xFFFF  }
0x7b: {  	_ =	shalt  }

</sc_bundles>
